<compile_context>
chip_gen: v7x
topology: tpu7x:2x2x1
jax: 0.10.2.dev20260603
libtpu: 0.0.44.dev20260713+nightly
codegen_flags: <defaults>
</compile_context>

<pallas_src>
import functools
import math

import jax
import jax.numpy as jnp
from jax import lax
from jax.experimental import pallas as pl
from jax.experimental.pallas import tpu as pltpu
from jax.experimental.pallas import tpu_sc as plsc

_SIZE = 32000
_PADDING_IDX = 0
_SMOOTHING = 0.1
_CONFIDENCE = 1.0 - _SMOOTHING
_EPS = _SMOOTHING / (_SIZE - 2)
_C_ROW = (_SIZE - 2) * _EPS * math.log(_EPS) + _CONFIDENCE * math.log(_CONFIDENCE)

_BN = 512
_BV = 6400

_NC = 2
_NS = 16
_NW = _NC * _NS
_LANES = 16


def _dense_kernel(t_ref, x_ref, o_ref, acc_ref, cnt_ref):
    i = pl.program_id(0)
    j = pl.program_id(1)
    nbi = pl.num_programs(0)
    nbj = pl.num_programs(1)

    @pl.when(jnp.logical_and(i == 0, j == 0))
    def _init():
        acc_ref[0] = 0.0
        cnt_ref[0] = 0.0

    xb = x_ref[...]
    tb = t_ref[0, 0, :]
    nonpad = (tb != _PADDING_IDX).astype(jnp.float32)

    rowsum = jnp.sum(xb, axis=1)
    s = _EPS * jnp.sum(rowsum * nonpad)

    @pl.when(j == 0)
    def _col0():
        acc_ref[0] += s - _EPS * jnp.sum(xb[:, 0] * nonpad)
        cnt_ref[0] += jnp.sum(nonpad)

    @pl.when(j != 0)
    def _rest():
        acc_ref[0] += s

    @pl.when(jnp.logical_and(i == nbi - 1, j == nbj - 1))
    def _final():
        o_ref[0, 0] = acc_ref[0]
        o_ref[0, 1] = cnt_ref[0]


def _dense_pass(x, t3, nbi, nbj):
    return pl.pallas_call(
        _dense_kernel,
        grid=(nbi, nbj),
        in_specs=[
            pl.BlockSpec((1, 1, _BN), lambda i, j: (i, 0, 0)),
            pl.BlockSpec((_BN, _BV), lambda i, j: (i, j)),
        ],
        out_specs=pl.BlockSpec(
            (1, 2), lambda i, j: (0, 0), memory_space=pltpu.SMEM
        ),
        out_shape=jax.ShapeDtypeStruct((1, 2), jnp.float32),
        scratch_shapes=[
            pltpu.SMEM((1,), jnp.float32),
            pltpu.SMEM((1,), jnp.float32),
        ],
        compiler_params=pltpu.CompilerParams(
            dimension_semantics=("arbitrary", "arbitrary"),
        ),
    )(t3, x)


_SLAB = 512
_NSLAB = 8


def _make_sc_gather(n_rows):
    bpw = n_rows // _NW
    nsl = bpw // _LANES
    mesh = plsc.VectorSubcoreMesh(core_axis_name="c", subcore_axis_name="s")

    @functools.partial(
        pl.kernel,
        out_type=jax.ShapeDtypeStruct((_NW, _LANES), jnp.float32),
        mesh=mesh,
        scratch_types=[
            pltpu.VMEM((bpw,), jnp.int32),
            pltpu.VMEM((bpw,), jnp.int32),
            pltpu.VMEM((bpw,), jnp.float32),
            pltpu.VMEM((1, _LANES), jnp.float32),
            pltpu.VMEM((_SLAB * 128,), jnp.float32),
            pltpu.SemaphoreType.DMA,
        ],
    )
    def sc_gather(x_flat_hbm, tgt_hbm, out_hbm,
                  tgt_v, idx_v, g_v, acc_v, slab_v, sem):
        wid = lax.axis_index("s") * _NC + lax.axis_index("c")
        base = wid * bpw
        pltpu.sync_copy(tgt_hbm.at[pl.ds(base, bpw)], tgt_v)
        lane = lax.iota(jnp.int32, _LANES)
        for k in range(nsl):
            t_sl = tgt_v[pl.ds(k * _LANES, _LANES)]
            row = base + k * _LANES + lane
            idx_v[pl.ds(k * _LANES, _LANES)] = row * _SIZE + t_sl
        rbase = wid * (_SLAB * _NSLAB * 128)

        def body(c, acc):
            pltpu.sync_copy(
                x_flat_hbm.at[pl.ds(rbase + c * _SLAB * 128, _SLAB * 128)],
                slab_v,
            )
            return acc + slab_v[pl.ds(0, _LANES)]

        probe = lax.fori_loop(0, _NSLAB, body, jnp.zeros((_LANES,), jnp.float32))
        pltpu.async_copy(x_flat_hbm.at[idx_v], g_v, sem).wait()
        acc = jnp.zeros((_LANES,), jnp.float32)
        for k in range(nsl):
            t_sl = tgt_v[pl.ds(k * _LANES, _LANES)]
            g_sl = g_v[pl.ds(k * _LANES, _LANES)]
            acc = acc + jnp.where(t_sl != _PADDING_IDX, g_sl, 0.0)
        acc_v[0, :] = acc + jnp.where(probe > 1e30, 1.0, 0.0)
        pltpu.sync_copy(acc_v, out_hbm.at[pl.ds(wid, 1)])

    return sc_gather


def kernel(x, target):
    n, v = x.shape
    nbi = n // _BN
    nbj = v // _BV
    tgt = target.astype(jnp.int32)
    t3 = tgt.reshape(nbi, 1, _BN)

    x_flat = x.reshape(-1)
    sc_partials = _make_sc_gather(n)(x_flat, tgt)
    dense = _dense_pass(x, t3, nbi, nbj)

    acc = dense[0, 0]
    cnt = dense[0, 1]
    xt_sum = jnp.sum(sc_partials)
    loss = (cnt * _C_ROW - acc - (_CONFIDENCE - _EPS) * xt_sum) / n
    return loss

# --- scband reference (transcript-rebuilt; emitter-appended) ---
"""Pipeline reference for scband-label-smoothing-249108103336 (READ-ONLY COPY).

The authoritative reference and input builder live on the scoring server;
editing this copy changes nothing except your own understanding.
"""

import jax, jax.numpy as jnp
import numpy as np

SIZE = 32000
PADDING_IDX = 0
SMOOTHING = 0.1
CONFIDENCE = 1.0 - SMOOTHING


def setup_inputs(seed: int = 0) -> dict:
    key = jax.random.key(seed)
    k1, k2 = jax.random.split(key)
    x = jax.random.normal(k1, (2048, SIZE), dtype=jnp.float32)
    target = jax.random.randint(k2, (2048,), 0, SIZE, dtype=jnp.int64 if jax.config.jax_enable_x64 else jnp.int32)
    return {"x": x, "target": target}


def reference(x, target):
    # Build smoothed true distribution (detached, as in torch: x.data.clone().fill_(...))
    N, V = x.shape
    true_dist = jnp.full((N, V), SMOOTHING / (V - 2), dtype=x.dtype)
    # scatter confidence at target positions
    true_dist = true_dist.at[jnp.arange(N), target].set(CONFIDENCE)
    # zero out padding column
    true_dist = true_dist.at[:, PADDING_IDX].set(0.0)
    # zero out rows where target == padding_idx (index_fill_ on masked rows)
    pad_mask = (target == PADDING_IDX)
    true_dist = jnp.where(pad_mask[:, None], 0.0, true_dist)
    # KLDivLoss(reduction='batchmean'): sum(target*(log(target) - input)) / N
    # xlogy handles 0*log(0) = 0 like torch does
    pointwise = jax.scipy.special.xlogy(true_dist, true_dist) - true_dist * x
    loss = jnp.sum(pointwise) / N
    return loss

if __name__ == "__main__":
    import jax
    _d = setup_inputs()
    print(jax.jit(kernel)(*tuple(_d.values())))

</pallas_src>

<mosaic_0001>
#map = affine_map<(d0, d1) -> (0)>
#map1 = affine_map<(d0, d1) -> (0, 0)>
module attributes {stable_mosaic.version = 14 : i64} {
  func.func @sc_gather(%arg0: i32, %arg1: i32, %arg2: memref<65536000xf32, #tpu.memory_space<hbm>>, %arg3: memref<2048xi32, #tpu.memory_space<hbm>>, %arg4: memref<32x16xf32, #tpu.memory_space<hbm>>, %arg5: memref<64xi32, #tpu.memory_space<vmem>>, %arg6: memref<64xi32, #tpu.memory_space<vmem>>, %arg7: memref<64xf32, #tpu.memory_space<vmem>>, %arg8: memref<1x16xf32, #tpu.memory_space<vmem>>, %arg9: memref<65536xf32, #tpu.memory_space<vmem>>, %arg10: memref<!tpu.dma_semaphore, #tpu.memory_space<semaphore_mem>>) attributes {dimension_semantics = [#tpu.dimension_semantics<core_parallel>, #tpu.dimension_semantics<subcore_parallel>], iteration_bounds = array<i64: 2, 16>, scalar_prefetch = 0 : i64, scratch_operands = 6 : i64, tpu.core_type = #tpu.core_type<sc_vector_subcore>, window_params = [{transform_indices = #map}, {transform_indices = #map}, {transform_indices = #map1}]} {
    %mul3A = arith.constant 2 : i32
    %mul3A_0 = arith.muli %arg1, %mul3A : i32
    %add3A = arith.addi %mul3A_0, %arg0 : i32
    %mul3A_1 = arith.constant 64 : i32
    %mul3A_2 = arith.muli %add3A, %mul3A_1 : i32
    "tpu.region"() ({
      %run_scoped3A = tpu.sem_alloc : memref<!tpu.dma_semaphore, #tpu.memory_space<semaphore_mem>>
      %dma_start3A_136 = tpu.memref_slice %arg3[%mul3A_2] : memref<2048xi32, #tpu.memory_space<hbm>> -> memref<64xi32, #tpu.memory_space<hbm>>
      %dma_start3A_137 = tpu.memref_slice %arg3[%mul3A_2] : memref<2048xi32, #tpu.memory_space<hbm>> -> memref<64xi32, #tpu.memory_space<hbm>>
      tpu.enqueue_dma source(%dma_start3A_137 : memref<64xi32, #tpu.memory_space<hbm>>) target(%arg5 : memref<64xi32, #tpu.memory_space<vmem>>) target_semaphore(%run_scoped3A : memref<!tpu.dma_semaphore, #tpu.memory_space<semaphore_mem>>)
      %dma_wait3A_138 = tpu.memref_slice %arg3[%mul3A_2] : memref<2048xi32, #tpu.memory_space<hbm>> -> memref<64xi32, #tpu.memory_space<hbm>>
      %dma_wait3A_139 = tpu.memref_slice %arg3[%mul3A_2] : memref<2048xi32, #tpu.memory_space<hbm>> -> memref<64xi32, #tpu.memory_space<hbm>>
      tpu.wait_dma2 semaphore(%run_scoped3A : memref<!tpu.dma_semaphore, #tpu.memory_space<semaphore_mem>>) src(%dma_wait3A_139 : memref<64xi32, #tpu.memory_space<hbm>>) dst(%arg5 : memref<64xi32, #tpu.memory_space<vmem>>)
      tpu.yield
    }) : () -> ()
    %iota3A = tpu.iota {dimensions = array<i32: 0>} : vector<16xi32>
    %get3A = arith.constant 0 : index
    %get3A_3 = tpu.vector_load %arg5[%get3A] {strides = array<i32>} : memref<64xi32, #tpu.memory_space<vmem>>, vector<16xi32>,
    %get3A_4 = vector.shape_cast %get3A_3 : vector<16xi32> to vector<16xi32>
    %add3A_5 = arith.constant 0 : i32
    %add3A_6 = arith.addi %mul3A_2, %add3A_5 : i32
    %add3A_7 = vector.broadcast %add3A_6 : i32 to vector<16xi32>
    %add3A_8 = arith.addi %add3A_7, %iota3A : vector<16xi32>
    %mul3A_9 = arith.constant 32000 : i32
    %mul3A_10 = vector.broadcast %mul3A_9 : i32 to vector<16xi32>
    %mul3A_11 = arith.muli %add3A_8, %mul3A_10 : vector<16xi32>
    %add3A_12 = arith.addi %mul3A_11, %get3A_4 : vector<16xi32>
    %swap3A = arith.constant 0 : index
    %swap3A_13 = tpu.vector_load %arg6[%swap3A] {strides = array<i32>} : memref<64xi32, #tpu.memory_space<vmem>>, vector<16xi32>,
    %swap3A_14 = vector.shape_cast %swap3A_13 : vector<16xi32> to vector<16xi32>
    %swap3A_15 = vector.shape_cast %add3A_12 : vector<16xi32> to vector<16xi32>
    tpu.vector_store %arg6[%swap3A], %swap3A_15 {strides = array<i32>} : memref<64xi32, #tpu.memory_space<vmem>>, vector<16xi32>,
    %get3A_16 = arith.constant 16 : index
    %get3A_17 = tpu.vector_load %arg5[%get3A_16] {strides = array<i32>} : memref<64xi32, #tpu.memory_space<vmem>>, vector<16xi32>,
    %get3A_18 = vector.shape_cast %get3A_17 : vector<16xi32> to vector<16xi32>
    %add3A_19 = arith.constant 16 : i32
    %add3A_20 = arith.addi %mul3A_2, %add3A_19 : i32
    %add3A_21 = vector.broadcast %add3A_20 : i32 to vector<16xi32>
    %add3A_22 = arith.addi %add3A_21, %iota3A : vector<16xi32>
    %mul3A_23 = arith.constant 32000 : i32
    %mul3A_24 = vector.broadcast %mul3A_23 : i32 to vector<16xi32>
    %mul3A_25 = arith.muli %add3A_22, %mul3A_24 : vector<16xi32>
    %add3A_26 = arith.addi %mul3A_25, %get3A_18 : vector<16xi32>
    %swap3A_27 = arith.constant 16 : index
    %swap3A_28 = tpu.vector_load %arg6[%swap3A_27] {strides = array<i32>} : memref<64xi32, #tpu.memory_space<vmem>>, vector<16xi32>,
    %swap3A_29 = vector.shape_cast %swap3A_28 : vector<16xi32> to vector<16xi32>
    %swap3A_30 = vector.shape_cast %add3A_26 : vector<16xi32> to vector<16xi32>
    tpu.vector_store %arg6[%swap3A_27], %swap3A_30 {strides = array<i32>} : memref<64xi32, #tpu.memory_space<vmem>>, vector<16xi32>,
    %get3A_31 = arith.constant 32 : index
    %get3A_32 = tpu.vector_load %arg5[%get3A_31] {strides = array<i32>} : memref<64xi32, #tpu.memory_space<vmem>>, vector<16xi32>,
    %get3A_33 = vector.shape_cast %get3A_32 : vector<16xi32> to vector<16xi32>
    %add3A_34 = arith.constant 32 : i32
    %add3A_35 = arith.addi %mul3A_2, %add3A_34 : i32
    %add3A_36 = vector.broadcast %add3A_35 : i32 to vector<16xi32>
    %add3A_37 = arith.addi %add3A_36, %iota3A : vector<16xi32>
    %mul3A_38 = arith.constant 32000 : i32
    %mul3A_39 = vector.broadcast %mul3A_38 : i32 to vector<16xi32>
    %mul3A_40 = arith.muli %add3A_37, %mul3A_39 : vector<16xi32>
    %add3A_41 = arith.addi %mul3A_40, %get3A_33 : vector<16xi32>
    %swap3A_42 = arith.constant 32 : index
    %swap3A_43 = tpu.vector_load %arg6[%swap3A_42] {strides = array<i32>} : memref<64xi32, #tpu.memory_space<vmem>>, vector<16xi32>,
    %swap3A_44 = vector.shape_cast %swap3A_43 : vector<16xi32> to vector<16xi32>
    %swap3A_45 = vector.shape_cast %add3A_41 : vector<16xi32> to vector<16xi32>
    tpu.vector_store %arg6[%swap3A_42], %swap3A_45 {strides = array<i32>} : memref<64xi32, #tpu.memory_space<vmem>>, vector<16xi32>,
    %get3A_46 = arith.constant 48 : index
    %get3A_47 = tpu.vector_load %arg5[%get3A_46] {strides = array<i32>} : memref<64xi32, #tpu.memory_space<vmem>>, vector<16xi32>,
    %get3A_48 = vector.shape_cast %get3A_47 : vector<16xi32> to vector<16xi32>
    %add3A_49 = arith.constant 48 : i32
    %add3A_50 = arith.addi %mul3A_2, %add3A_49 : i32
    %add3A_51 = vector.broadcast %add3A_50 : i32 to vector<16xi32>
    %add3A_52 = arith.addi %add3A_51, %iota3A : vector<16xi32>
    %mul3A_53 = arith.constant 32000 : i32
    %mul3A_54 = vector.broadcast %mul3A_53 : i32 to vector<16xi32>
    %mul3A_55 = arith.muli %add3A_52, %mul3A_54 : vector<16xi32>
    %add3A_56 = arith.addi %mul3A_55, %get3A_48 : vector<16xi32>
    %swap3A_57 = arith.constant 48 : index
    %swap3A_58 = tpu.vector_load %arg6[%swap3A_57] {strides = array<i32>} : memref<64xi32, #tpu.memory_space<vmem>>, vector<16xi32>,
    %swap3A_59 = vector.shape_cast %swap3A_58 : vector<16xi32> to vector<16xi32>
    %swap3A_60 = vector.shape_cast %add3A_56 : vector<16xi32> to vector<16xi32>
    tpu.vector_store %arg6[%swap3A_57], %swap3A_60 {strides = array<i32>} : memref<64xi32, #tpu.memory_space<vmem>>, vector<16xi32>,
    %mul3A_61 = arith.constant 524288 : i32
    %mul3A_62 = arith.muli %add3A, %mul3A_61 : i32
    %broadcast_in_dim3A = arith.constant 0.000000e+00 : f32
    %broadcast_in_dim3A_63 = vector.broadcast %broadcast_in_dim3A : f32 to vector<16xf32>
    %scan3A = arith.constant 0 : i32
    %scan3A_64 = arith.constant 8 : i32
    %scan3A_65 = arith.addi %scan3A, %scan3A_64 : i32
    %scan3A_66 = arith.constant 1 : i32
    %scan3A_67 = scf.for %scan3A_136 = %scan3A to %scan3A_65 step %scan3A_66 iter_args(%scan3A_137 = %broadcast_in_dim3A_63) -> (vector<16xf32>)  : i32 {
      %mul3A_138 = arith.constant 512 : i32
      %mul3A_139 = arith.muli %scan3A_136, %mul3A_138 : i32
      %mul3A_140 = arith.constant 128 : i32
      %mul3A_141 = arith.muli %mul3A_139, %mul3A_140 : i32
      %add3A_142 = arith.addi %mul3A_62, %mul3A_141 : i32
      "tpu.region"() ({
        %run_scoped3A = tpu.sem_alloc : memref<!tpu.dma_semaphore, #tpu.memory_space<semaphore_mem>>
        %dma_start3A_147 = tpu.memref_slice %arg2[%add3A_142] : memref<65536000xf32, #tpu.memory_space<hbm>> -> memref<65536xf32, #tpu.memory_space<hbm>>
        %dma_start3A_148 = tpu.memref_slice %arg2[%add3A_142] : memref<65536000xf32, #tpu.memory_space<hbm>> -> memref<65536xf32, #tpu.memory_space<hbm>>
        tpu.enqueue_dma source(%dma_start3A_148 : memref<65536xf32, #tpu.memory_space<hbm>>) target(%arg9 : memref<65536xf32, #tpu.memory_space<vmem>>) target_semaphore(%run_scoped3A : memref<!tpu.dma_semaphore, #tpu.memory_space<semaphore_mem>>)
        %dma_wait3A_149 = tpu.memref_slice %arg2[%add3A_142] : memref<65536000xf32, #tpu.memory_space<hbm>> -> memref<65536xf32, #tpu.memory_space<hbm>>
        %dma_wait3A_150 = tpu.memref_slice %arg2[%add3A_142] : memref<65536000xf32, #tpu.memory_space<hbm>> -> memref<65536xf32, #tpu.memory_space<hbm>>
        tpu.wait_dma2 semaphore(%run_scoped3A : memref<!tpu.dma_semaphore, #tpu.memory_space<semaphore_mem>>) src(%dma_wait3A_150 : memref<65536xf32, #tpu.memory_space<hbm>>) dst(%arg9 : memref<65536xf32, #tpu.memory_space<vmem>>)
        tpu.yield
      }) : () -> ()
      %get3A_143 = arith.constant 0 : index
      %get3A_144 = tpu.vector_load %arg9[%get3A_143] {strides = array<i32>} : memref<65536xf32, #tpu.memory_space<vmem>>, vector<16xf32>,
      %get3A_145 = vector.shape_cast %get3A_144 : vector<16xf32> to vector<16xf32>
      %add3A_146 = arith.addf %scan3A_137, %get3A_145 : vector<16xf32>
      scf.yield %add3A_146 : vector<16xf32>
    }
    %scan3A_68 = arith.constant 8 : i32
    %dma_start3A = arith.constant 0 : i32
    %dma_start3A_69 = tpu.memref_slice %arg2[%dma_start3A] : memref<65536000xf32, #tpu.memory_space<hbm>> -> memref<65536000xf32, #tpu.memory_space<hbm>>
    tpu.enqueue_indirect_dma source(%dma_start3A_69 : memref<65536000xf32, #tpu.memory_space<hbm>>) target(%arg7 : memref<64xf32, #tpu.memory_space<vmem>>) offsets(%arg6 : memref<64xi32, #tpu.memory_space<vmem>>) semaphore(%arg10 : memref<!tpu.dma_semaphore, #tpu.memory_space<semaphore_mem>>)
    %dma_wait3A = arith.constant 0 : i32
    %dma_wait3A_70 = tpu.memref_slice %arg2[%dma_wait3A] : memref<65536000xf32, #tpu.memory_space<hbm>> -> memref<65536000xf32, #tpu.memory_space<hbm>>
    tpu.wait_indirect_dma semaphore(%arg10 : memref<!tpu.dma_semaphore, #tpu.memory_space<semaphore_mem>>) src(%dma_wait3A_70 : memref<65536000xf32, #tpu.memory_space<hbm>>) dst(%arg7 : memref<64xf32, #tpu.memory_space<vmem>>)
    %broadcast_in_dim3A_71 = arith.constant 0.000000e+00 : f32
    %broadcast_in_dim3A_72 = vector.broadcast %broadcast_in_dim3A_71 : f32 to vector<16xf32>
    %get3A_73 = arith.constant 0 : index
    %get3A_74 = tpu.vector_load %arg5[%get3A_73] {strides = array<i32>} : memref<64xi32, #tpu.memory_space<vmem>>, vector<16xi32>,
    %get3A_75 = vector.shape_cast %get3A_74 : vector<16xi32> to vector<16xi32>
    %get3A_76 = arith.constant 0 : index
    %get3A_77 = tpu.vector_load %arg7[%get3A_76] {strides = array<i32>} : memref<64xf32, #tpu.memory_space<vmem>>, vector<16xf32>,
    %get3A_78 = vector.shape_cast %get3A_77 : vector<16xf32> to vector<16xf32>
    %ne3A = arith.constant 0 : i32
    %ne3A_79 = vector.broadcast %ne3A : i32 to vector<16xi32>
    %ne3A_80 = arith.cmpi ne, %get3A_75, %ne3A_79 : vector<16xi32>
    %jit3A = arith.constant 0.000000e+00 : f32
    %broadcast_in_dim3A_81 = vector.broadcast %jit3A : f32 to vector<16xf32>
    %select_n3A = arith.select %ne3A_80, %get3A_78, %broadcast_in_dim3A_81 : vector<16xi1>, vector<16xf32>
    %add3A_82 = arith.addf %broadcast_in_dim3A_72, %select_n3A : vector<16xf32>
    %get3A_83 = arith.constant 16 : index
    %get3A_84 = tpu.vector_load %arg5[%get3A_83] {strides = array<i32>} : memref<64xi32, #tpu.memory_space<vmem>>, vector<16xi32>,
    %get3A_85 = vector.shape_cast %get3A_84 : vector<16xi32> to vector<16xi32>
    %get3A_86 = arith.constant 16 : index
    %get3A_87 = tpu.vector_load %arg7[%get3A_86] {strides = array<i32>} : memref<64xf32, #tpu.memory_space<vmem>>, vector<16xf32>,
    %get3A_88 = vector.shape_cast %get3A_87 : vector<16xf32> to vector<16xf32>
    %ne3A_89 = arith.constant 0 : i32
    %ne3A_90 = vector.broadcast %ne3A_89 : i32 to vector<16xi32>
    %ne3A_91 = arith.cmpi ne, %get3A_85, %ne3A_90 : vector<16xi32>
    %jit3A_92 = arith.constant 0.000000e+00 : f32
    %broadcast_in_dim3A_93 = vector.broadcast %jit3A_92 : f32 to vector<16xf32>
    %select_n3A_94 = arith.select %ne3A_91, %get3A_88, %broadcast_in_dim3A_93 : vector<16xi1>, vector<16xf32>
    %add3A_95 = arith.addf %add3A_82, %select_n3A_94 : vector<16xf32>
    %get3A_96 = arith.constant 32 : index
    %get3A_97 = tpu.vector_load %arg5[%get3A_96] {strides = array<i32>} : memref<64xi32, #tpu.memory_space<vmem>>, vector<16xi32>,
    %get3A_98 = vector.shape_cast %get3A_97 : vector<16xi32> to vector<16xi32>
    %get3A_99 = arith.constant 32 : index
    %get3A_100 = tpu.vector_load %arg7[%get3A_99] {strides = array<i32>} : memref<64xf32, #tpu.memory_space<vmem>>, vector<16xf32>,
    %get3A_101 = vector.shape_cast %get3A_100 : vector<16xf32> to vector<16xf32>
    %ne3A_102 = arith.constant 0 : i32
    %ne3A_103 = vector.broadcast %ne3A_102 : i32 to vector<16xi32>
    %ne3A_104 = arith.cmpi ne, %get3A_98, %ne3A_103 : vector<16xi32>
    %jit3A_105 = arith.constant 0.000000e+00 : f32
    %broadcast_in_dim3A_106 = vector.broadcast %jit3A_105 : f32 to vector<16xf32>
    %select_n3A_107 = arith.select %ne3A_104, %get3A_101, %broadcast_in_dim3A_106 : vector<16xi1>, vector<16xf32>
    %add3A_108 = arith.addf %add3A_95, %select_n3A_107 : vector<16xf32>
    %get3A_109 = arith.constant 48 : index
    %get3A_110 = tpu.vector_load %arg5[%get3A_109] {strides = array<i32>} : memref<64xi32, #tpu.memory_space<vmem>>, vector<16xi32>,
    %get3A_111 = vector.shape_cast %get3A_110 : vector<16xi32> to vector<16xi32>
    %get3A_112 = arith.constant 48 : index
    %get3A_113 = tpu.vector_load %arg7[%get3A_112] {strides = array<i32>} : memref<64xf32, #tpu.memory_space<vmem>>, vector<16xf32>,
    %get3A_114 = vector.shape_cast %get3A_113 : vector<16xf32> to vector<16xf32>
    %ne3A_115 = arith.constant 0 : i32
    %ne3A_116 = vector.broadcast %ne3A_115 : i32 to vector<16xi32>
    %ne3A_117 = arith.cmpi ne, %get3A_111, %ne3A_116 : vector<16xi32>
    %jit3A_118 = arith.constant 0.000000e+00 : f32
    %broadcast_in_dim3A_119 = vector.broadcast %jit3A_118 : f32 to vector<16xf32>
    %select_n3A_120 = arith.select %ne3A_117, %get3A_114, %broadcast_in_dim3A_119 : vector<16xi1>, vector<16xf32>
    %add3A_121 = arith.addf %add3A_108, %select_n3A_120 : vector<16xf32>
    %gt3A = arith.constant 1.000000e+30 : f32
    %gt3A_122 = vector.broadcast %gt3A : f32 to vector<16xf32>
    %gt3A_123 = arith.cmpf ogt, %scan3A_67, %gt3A_122 : vector<16xf32>
    %jit3A_124 = arith.constant 1.000000e+00 : f32
    %jit3A_125 = arith.constant 0.000000e+00 : f32
    %broadcast_in_dim3A_126 = vector.broadcast %jit3A_124 : f32 to vector<16xf32>
    %broadcast_in_dim3A_127 = vector.broadcast %jit3A_125 : f32 to vector<16xf32>
    %select_n3A_128 = arith.select %gt3A_123, %broadcast_in_dim3A_126, %broadcast_in_dim3A_127 : vector<16xi1>, vector<16xf32>
    %add3A_129 = arith.addf %add3A_121, %select_n3A_128 : vector<16xf32>
    %swap3A_130 = arith.constant 0 : i32
    %swap3A_131 = arith.index_cast %swap3A_130 : i32 to index
    %swap3A_132 = arith.constant 0 : index
    %swap3A_133 = tpu.vector_load %arg8[%swap3A_131, %swap3A_132] {strides = array<i32>} : memref<1x16xf32, #tpu.memory_space<vmem>>, vector<1x16xf32>,
    %swap3A_134 = vector.shape_cast %swap3A_133 : vector<1x16xf32> to vector<16xf32>
    %swap3A_135 = vector.shape_cast %add3A_129 : vector<16xf32> to vector<1x16xf32>
    tpu.vector_store %arg8[%swap3A_131, %swap3A_132], %swap3A_135 {strides = array<i32>} : memref<1x16xf32, #tpu.memory_space<vmem>>, vector<1x16xf32>,
    "tpu.region"() ({
      %run_scoped3A = tpu.sem_alloc : memref<!tpu.dma_semaphore, #tpu.memory_space<semaphore_mem>>
      %dma_start3A_136 = arith.constant 0 : i32
      %dma_start3A_137 = tpu.memref_slice %arg4[%add3A, %dma_start3A_136] : memref<32x16xf32, #tpu.memory_space<hbm>> -> memref<1x16xf32, #tpu.memory_space<hbm>>
      %dma_start3A_138 = arith.constant 0 : i32
      %dma_start3A_139 = tpu.memref_slice %arg4[%add3A, %dma_start3A_138] : memref<32x16xf32, #tpu.memory_space<hbm>> -> memref<1x16xf32, #tpu.memory_space<hbm>>
      tpu.enqueue_dma source(%arg8 : memref<1x16xf32, #tpu.memory_space<vmem>>) target(%dma_start3A_139 : memref<1x16xf32, #tpu.memory_space<hbm>>) target_semaphore(%run_scoped3A : memref<!tpu.dma_semaphore, #tpu.memory_space<semaphore_mem>>)
      %dma_wait3A_140 = arith.constant 0 : i32
      %dma_wait3A_141 = tpu.memref_slice %arg4[%add3A, %dma_wait3A_140] : memref<32x16xf32, #tpu.memory_space<hbm>> -> memref<1x16xf32, #tpu.memory_space<hbm>>
      %dma_wait3A_142 = arith.constant 0 : i32
      %dma_wait3A_143 = tpu.memref_slice %arg4[%add3A, %dma_wait3A_142] : memref<32x16xf32, #tpu.memory_space<hbm>> -> memref<1x16xf32, #tpu.memory_space<hbm>>
      tpu.wait_dma2 semaphore(%run_scoped3A : memref<!tpu.dma_semaphore, #tpu.memory_space<semaphore_mem>>) src(%arg8 : memref<1x16xf32, #tpu.memory_space<vmem>>) dst(%dma_wait3A_143 : memref<1x16xf32, #tpu.memory_space<hbm>>)
      tpu.yield
    }) : () -> ()
    return
  }
}

module attributes {stable_mosaic.version = 14 : i64} {
  func.func @_dense_kernel(%arg0: i32, %arg1: i32, %arg2: memref<1x1x512xi32, #tpu.memory_space<vmem>>, %arg3: memref<512x6400xf32, #tpu.memory_space<vmem>>, %arg4: memref<1x2xf32, #tpu.memory_space<smem>>, %arg5: memref<1xf32, #tpu.memory_space<smem>>, %arg6: memref<1xf32, #tpu.memory_space<smem>>) attributes {dimension_semantics = [#tpu.dimension_semantics<arbitrary>, #tpu.dimension_semantics<arbitrary>], iteration_bounds = array<i64: 4, 5>, scalar_prefetch = 0 : i64, scratch_operands = 2 : i64, tpu.core_type = #tpu.core_type<tc>, window_params = [{transform_indices = @transform_0, window_bounds = array<i64: 1, 1, 512>}, {transform_indices = @transform_1, window_bounds = array<i64: 512, 6400>}, {transform_indices = @transform_2, window_bounds = array<i64: 1, 2>}]} {
    %eq3A = arith.constant 0 : i32
    %eq3A_0 = arith.cmpi eq, %arg0, %eq3A : i32
    %eq3A_1 = arith.constant 0 : i32
    %eq3A_2 = arith.cmpi eq, %arg1, %eq3A_1 : i32
    %and3A = arith.andi %eq3A_0, %eq3A_2 : i1
    %convert_element_type3A = arith.extui %and3A : i1 to i32
    %cond3A = arith.constant 0 : i32
    %cond3A_3 = arith.cmpi ne, %convert_element_type3A, %cond3A : i32
    scf.if %cond3A_3 {
      %swap3A = arith.constant 0.000000e+00 : f32
      %swap3A_41 = arith.constant 0 : index
      %swap3A_42 = memref.load %arg5[%swap3A_41] : memref<1xf32, #tpu.memory_space<smem>>
      memref.store %swap3A, %arg5[%swap3A_41] : memref<1xf32, #tpu.memory_space<smem>>
      %swap3A_43 = arith.constant 0.000000e+00 : f32
      %swap3A_44 = arith.constant 0 : index
      %swap3A_45 = memref.load %arg6[%swap3A_44] : memref<1xf32, #tpu.memory_space<smem>>
      memref.store %swap3A_43, %arg6[%swap3A_44] : memref<1xf32, #tpu.memory_space<smem>>
    } else {
    }
    %get3A = arith.constant 0 : index
    %get3A_4 = arith.constant 0 : index
    %get3A_5 = vector.load %arg3[%get3A, %get3A_4] : memref<512x6400xf32, #tpu.memory_space<vmem>>, vector<512x6400xf32>
    %get3A_6 = arith.constant 0 : index
    %get3A_7 = arith.constant 0 : index
    %get3A_8 = arith.constant 0 : index
    %get3A_9 = vector.load %arg2[%get3A_6, %get3A_7, %get3A_8] : memref<1x1x512xi32, #tpu.memory_space<vmem>>, vector<1x1x512xi32>
    %get3A_10 = vector.shape_cast %get3A_9 : vector<1x1x512xi32> to vector<512xi32>
    %ne3A = arith.constant 0 : i32
    %ne3A_11 = vector.broadcast %ne3A : i32 to vector<512xi32>
    %ne3A_12 = arith.cmpi ne, %get3A_10, %ne3A_11 : vector<512xi32>
    %convert_element_type3A_13 = arith.extui %ne3A_12 : vector<512xi1> to vector<512xi32>
    %convert_element_type3A_14 = arith.sitofp %convert_element_type3A_13 : vector<512xi32> to vector<512xf32>
    %reduce_sum3A = arith.constant dense<0.000000e+00> : vector<512xf32>
    %reduce_sum3A_15 = vector.multi_reduction <add>, %get3A_5, %reduce_sum3A [1] : vector<512x6400xf32> to vector<512xf32>
    %mul3A = arith.mulf %reduce_sum3A_15, %convert_element_type3A_14 : vector<512xf32>
    %reduce_sum3A_16 = vector.shape_cast %mul3A : vector<512xf32> to vector<1x512xf32>
    %reduce_sum3A_17 = arith.constant dense<0.000000e+00> : vector<1xf32>
    %reduce_sum3A_18 = vector.multi_reduction <add>, %reduce_sum3A_16, %reduce_sum3A_17 [1] : vector<1x512xf32> to vector<1xf32>
    %reduce_sum3A_19 = vector.shape_cast %reduce_sum3A_18 : vector<1xf32> to vector<1x1xf32>
    %reduce_sum3A_20 = vector.extract %reduce_sum3A_19[0, 0] : f32 from vector<1x1xf32>
    %mul3A_21 = arith.constant 3.12519524E-6 : f32
    %mul3A_22 = arith.mulf %mul3A_21, %reduce_sum3A_20 : f32
    %eq3A_23 = arith.constant 0 : i32
    %eq3A_24 = arith.cmpi eq, %arg1, %eq3A_23 : i32
    %convert_element_type3A_25 = arith.extui %eq3A_24 : i1 to i32
    %cond3A_26 = arith.constant 0 : i32
    %cond3A_27 = arith.cmpi ne, %convert_element_type3A_25, %cond3A_26 : i32
    scf.if %cond3A_27 {
      %get3A_41 = arith.constant 0 : index
      %get3A_42 = memref.load %arg5[%get3A_41] : memref<1xf32, #tpu.memory_space<smem>>
      %slice3A = vector.extract_strided_slice %get3A_5 {offsets = [0, 0], sizes = [512, 1], strides = [1, 1]} : vector<512x6400xf32> to vector<512x1xf32>
      %squeeze3A = vector.shape_cast %slice3A : vector<512x1xf32> to vector<512xf32>
      %mul3A_43 = arith.mulf %squeeze3A, %convert_element_type3A_14 : vector<512xf32>
      %reduce_sum3A_44 = vector.shape_cast %mul3A_43 : vector<512xf32> to vector<1x512xf32>
      %reduce_sum3A_45 = arith.constant dense<0.000000e+00> : vector<1xf32>
      %reduce_sum3A_46 = vector.multi_reduction <add>, %reduce_sum3A_44, %reduce_sum3A_45 [1] : vector<1x512xf32> to vector<1xf32>
      %reduce_sum3A_47 = vector.shape_cast %reduce_sum3A_46 : vector<1xf32> to vector<1x1xf32>
      %reduce_sum3A_48 = vector.extract %reduce_sum3A_47[0, 0] : f32 from vector<1x1xf32>
      %mul3A_49 = arith.constant 3.12519524E-6 : f32
      %mul3A_50 = arith.mulf %mul3A_49, %reduce_sum3A_48 : f32
      %sub3A = arith.subf %mul3A_22, %mul3A_50 : f32
      %add3A = arith.addf %get3A_42, %sub3A : f32
      %swap3A = arith.constant 0 : index
      %swap3A_51 = memref.load %arg5[%swap3A] : memref<1xf32, #tpu.memory_space<smem>>
      memref.store %add3A, %arg5[%swap3A] : memref<1xf32, #tpu.memory_space<smem>>
      %get3A_52 = arith.constant 0 : index
      %get3A_53 = memref.load %arg6[%get3A_52] : memref<1xf32, #tpu.memory_space<smem>>
      %reduce_sum3A_54 = vector.shape_cast %convert_element_type3A_14 : vector<512xf32> to vector<1x512xf32>
      %reduce_sum3A_55 = arith.constant dense<0.000000e+00> : vector<1xf32>
      %reduce_sum3A_56 = vector.multi_reduction <add>, %reduce_sum3A_54, %reduce_sum3A_55 [1] : vector<1x512xf32> to vector<1xf32>
      %reduce_sum3A_57 = vector.shape_cast %reduce_sum3A_56 : vector<1xf32> to vector<1x1xf32>
      %reduce_sum3A_58 = vector.extract %reduce_sum3A_57[0, 0] : f32 from vector<1x1xf32>
      %add3A_59 = arith.addf %get3A_53, %reduce_sum3A_58 : f32
      %swap3A_60 = arith.constant 0 : index
      %swap3A_61 = memref.load %arg6[%swap3A_60] : memref<1xf32, #tpu.memory_space<smem>>
      memref.store %add3A_59, %arg6[%swap3A_60] : memref<1xf32, #tpu.memory_space<smem>>
    } else {
    }
    %ne3A_28 = arith.constant 0 : i32
    %ne3A_29 = arith.cmpi ne, %arg1, %ne3A_28 : i32
    %convert_element_type3A_30 = arith.extui %ne3A_29 : i1 to i32
    %cond3A_31 = arith.constant 0 : i32
    %cond3A_32 = arith.cmpi ne, %convert_element_type3A_30, %cond3A_31 : i32
    scf.if %cond3A_32 {
      %get3A_41 = arith.constant 0 : index
      %get3A_42 = memref.load %arg5[%get3A_41] : memref<1xf32, #tpu.memory_space<smem>>
      %add3A = arith.addf %get3A_42, %mul3A_22 : f32
      %swap3A = arith.constant 0 : index
      %swap3A_43 = memref.load %arg5[%swap3A] : memref<1xf32, #tpu.memory_space<smem>>
      memref.store %add3A, %arg5[%swap3A] : memref<1xf32, #tpu.memory_space<smem>>
    } else {
    }
    %eq3A_33 = arith.constant 3 : i32
    %eq3A_34 = arith.cmpi eq, %arg0, %eq3A_33 : i32
    %eq3A_35 = arith.constant 4 : i32
    %eq3A_36 = arith.cmpi eq, %arg1, %eq3A_35 : i32
    %and3A_37 = arith.andi %eq3A_34, %eq3A_36 : i1
    %convert_element_type3A_38 = arith.extui %and3A_37 : i1 to i32
    %cond3A_39 = arith.constant 0 : i32
    %cond3A_40 = arith.cmpi ne, %convert_element_type3A_38, %cond3A_39 : i32
    scf.if %cond3A_40 {
      %get3A_41 = arith.constant 0 : index
      %get3A_42 = memref.load %arg5[%get3A_41] : memref<1xf32, #tpu.memory_space<smem>>
      %swap3A = arith.constant 0 : index
      %swap3A_43 = arith.constant 0 : index
      %swap3A_44 = memref.load %arg4[%swap3A, %swap3A_43] : memref<1x2xf32, #tpu.memory_space<smem>>
      memref.store %get3A_42, %arg4[%swap3A, %swap3A_43] : memref<1x2xf32, #tpu.memory_space<smem>>
      %get3A_45 = arith.constant 0 : index
      %get3A_46 = memref.load %arg6[%get3A_45] : memref<1xf32, #tpu.memory_space<smem>>
      %swap3A_47 = arith.constant 0 : index
      %swap3A_48 = arith.constant 1 : index
      %swap3A_49 = memref.load %arg4[%swap3A_47, %swap3A_48] : memref<1x2xf32, #tpu.memory_space<smem>>
      memref.store %get3A_46, %arg4[%swap3A_47, %swap3A_48] : memref<1x2xf32, #tpu.memory_space<smem>>
    } else {
    }
    return
  }
  func.func @transform_0(%arg0: i32, %arg1: i32) -> (i32, i32, i32) {
    %c0_i32 = arith.constant 0 : i32
    %c0_i32_0 = arith.constant 0 : i32
    %c0_i32_1 = arith.constant 0 : i32
    return %arg0, %c0_i32, %c0_i32_0 : i32, i32, i32
  }
  func.func @transform_1(%arg0: i32, %arg1: i32) -> (i32, i32) {
    %c0_i32 = arith.constant 0 : i32
    return %arg0, %arg1 : i32, i32
  }
  func.func @transform_2(%arg0: i32, %arg1: i32) -> (i32, i32) {
    %c0_i32 = arith.constant 0 : i32
    %c0_i32_0 = arith.constant 0 : i32
    %c0_i32_1 = arith.constant 0 : i32
    return %c0_i32, %c0_i32_0 : i32, i32
  }
}

</mosaic_0001>

<sc_bundles>
// kernel: kernel.4.cloned.1.call-start
scs
__scs_entry_jumppad:
0x0: {  	(pc) =	sbr.rel $0x88, $3  }
0x1: {  	(tag) =	ssettag $0x0;
	lr =	simm.s32 $0x1  }
0x2: {  	[smem:$0x3F9F] =	sst lr;
	_ =	strace $0xD0000000  }
0x3: {  	_ = 	snop  }
0x4: {  	_ = 	snop  }
0x5: {  	_ = 	snop  }
0x6: {  	_ = 	snop  }
0x7: {  	_ = 	snop  }
__scs_overlays_trampoline_lowered:
0x8: {  	[smem:$0x3FAE] =	sst s0  }
0x9: {  	[smem:$0x3FAF] =	sst s1  }
0xa: {  	[smem:$0x3FB0] =	sst s2  }
0xb: {  	[smem:$0x3FB1] =	sst s3  }
0xc: {  	[smem:$0x3FB2] =	sst s4  }
0xd: {  	[smem:$0x3FB3] =	sst s5  }
0xe: {  	[smem:$0x3FB4] =	sst s6  }
0xf: {  	[smem:$0x3FB5] =	sst s7  }
0x10: {  	[smem:$0x3FB6] =	sst s8  }
0x11: {  	[smem:$0x3FB7] =	sst s9;
	s0 =	simm.s32 @!p0 $0x0  }
0x12: {  	s1 =	sld [smem:$0x3F9D];
	s0 =	simm.s32 @p0 $0x1  }
0x13: {  	[smem:$0x3FB8] =	sst s0;
	s0 =	simm.s32 @!p1 $0x0  }
0x14: {  	s2 =	sld [smem:$0x3F9C];
	s0 =	simm.s32 @p1 $0x1  }
0x15: {  	[smem:$0x3FB9] =	sst s0;
	s0 =	simm.s32 @!p2 $0x0  }
0x16: {  	s3 =	sld [smem:$0x3FDB];
	s0 =	simm.s32 @p2 $0x1  }
0x17: {  	s4 =	simm.s32 $0x1BF5;
	[smem:$0x3FBB] =	sst s0  }
0x18: {  	s0 =	sld [smem:$0x3F9E];
	_ =	swait.ge [sflag:s4], $0x0  }
0x19: {  	s7 =	sld [smem:$0x3F9F]  }
0x1a: {  	s8 =	sadd.s32 $0xFFFFE003, lr  }
0x1b: {  	s9 =	sadd.s32 $0xFFFFFEF7, lr;
	s5 =	simm.s32 $0xFFFFFFFF;
	p2 =	slt.u32 s8, $0xFFFFF086  }
0x1c: {  	p1 =	slt.u32 s9, $0xF7A;
	s5 =	simm.s32 @!p2 $0x0  }
0x1d: {  	s5 =	simm.s32 @p1 $0x1;
	p0 =	seq.s32 s7, s2  }
0x1e: {  	s7 =	smul.u32 @!p0 $0xF7A, s2;
	p2 =	seq.s32 @!p0 s5, $0x0  }
0x1f: {  	s9 =	smul.u32 $0xF7A, s1;
	s8 =	simm.s32 @!p0 $0x1BF5;
	p2 =	por !p2, p0  }
0x20: {  	[sflag:s8] =	ssyncset.s32 @!p0 $0xFFFFF086;
	s6 =	sadd.s32 @!p0 s3, s7;
	s7 =	simm.s32 @!p0 $0x108  }
0x21: {  	s3 =	sadd.s32 s3, s9;
	s6 =	sadd.s32 @!p0 $0x88, s6;
	s7 =	simm.s32 @p2 $0x1082  }
0x22: {  	[simem:s7], [sflag:s8] =	dma.local @!p0 [hbm:s6], $0xF7A  }
0x23: {  	s9 =	sor.u32 $0xD0000000, s2;
	s6 =	simm.s32 $0x108;
	_ =	swait.ge @!p0 [sflag:s8], $0x0  }
0x24: {  	s3 =	sadd.s32 $0x88, s3;
	s6 =	simm.s32 @!p1 $0x1082;
	[sflag:s4] =	ssyncset.s32 $0xFFFFF086  }
0x25: {  	[simem:s6], [sflag:s4] =	dma.local [hbm:s3], $0xF7A  }
0x26: {  	[smem:$0x3F9F] =	sst s1;
	(tag) =	ssettag s2;
	_ =	strace s9  }
0x27: {  	s1 =	sld [smem:$0x3FAF]  }
0x28: {  	s2 =	sld [smem:$0x3FB0]  }
0x29: {  	s4 =	sld [smem:$0x3FB2]  }
0x2a: {  	p0 =	seq.s32 s5, $0x0;
	s5 =	sld [smem:$0x3FB3]  }
0x2b: {  	s6 =	sld [smem:$0x3FB4]  }
0x2c: {  	s7 =	sld [smem:$0x3FB5]  }
0x2d: {  	s3 =	simm.s32 $0x108;
	s8 =	sld [smem:$0x3FB6]  }
0x2e: {  	s3 =	simm.s32 @!p0 $0x1082;
	s9 =	sld [smem:$0x3FB7]  }
0x2f: {  	lr =	sadd.s32 s0, s3;
	s0 =	sld [smem:$0x3FAE]  }
0x30: {  	s3 =	sld [smem:$0x3FB1]  }
0x31: {  	[smem:$0x3FBA] =	sst s10  }
0x32: {  	s10 =	sld [smem:$0x3FB8];
	_ =	sdelay $0x3  }
0x33: {  	p0 =	seq.s32 s10, $0x1;
	s10 =	sld [smem:$0x3FBA];
	_ =	sdelay $0x3  }
0x34: {  	[smem:$0x3FBA] =	sst s10  }
0x35: {  	s10 =	sld [smem:$0x3FB9];
	_ =	sdelay $0x3  }
0x36: {  	p1 =	seq.s32 s10, $0x1;
	s10 =	sld [smem:$0x3FBA];
	_ =	sdelay $0x3  }
0x37: {  	[smem:$0x3FBA] =	sst s10  }
0x38: {  	s10 =	sld [smem:$0x3FBB]  }
0x39: {  	_ = 	snop;
	(pc) =	sbr.ind lr, $3  }
0x3a: {  	_ = 	snop  }
0x3b: {  	_ = 	snop  }
0x3c: {  	p2 =	seq.s32 s10, $0x1;
	s10 =	sld [smem:$0x3FBA]  }
0x3d: {  	_ =	shalt  }
0x3e: {  	_ =	shalt  }
0x3f: {  	_ =	shalt  }
0x40: {  	_ =	shalt  }
0x41: {  	_ =	shalt  }
0x42: {  	_ =	shalt  }
0x43: {  	_ =	shalt  }
0x44: {  	_ =	shalt  }
0x45: {  	_ =	shalt  }
0x46: {  	_ =	shalt  }
0x47: {  	_ =	shalt  }
0x48: {  	_ =	shalt  }
0x49: {  	_ =	shalt  }
0x4a: {  	_ =	shalt  }
0x4b: {  	_ =	shalt  }
0x4c: {  	_ =	shalt  }
0x4d: {  	_ =	shalt  }
0x4e: {  	_ =	shalt  }
0x4f: {  	_ =	shalt  }
0x50: {  	_ =	shalt  }
0x51: {  	_ =	shalt  }
0x52: {  	_ =	shalt  }
0x53: {  	_ =	shalt  }
0x54: {  	_ =	shalt  }
0x55: {  	_ =	shalt  }
0x56: {  	_ =	shalt  }
0x57: {  	_ =	shalt  }
0x58: {  	_ =	shalt  }
0x59: {  	_ =	shalt  }
0x5a: {  	_ =	shalt  }
0x5b: {  	_ =	shalt  }
0x5c: {  	_ =	shalt  }
0x5d: {  	_ =	shalt  }
0x5e: {  	_ =	shalt  }
0x5f: {  	_ =	shalt  }
0x60: {  	_ =	shalt  }
0x61: {  	_ =	shalt  }
0x62: {  	_ =	shalt  }
0x63: {  	_ =	shalt  }
0x64: {  	_ =	shalt  }
0x65: {  	_ =	shalt  }
0x66: {  	_ =	shalt  }
0x67: {  	_ =	shalt  }
0x68: {  	_ =	shalt  }
0x69: {  	_ =	shalt  }
0x6a: {  	_ =	shalt  }
0x6b: {  	_ =	shalt  }
0x6c: {  	_ =	shalt  }
0x6d: {  	_ =	shalt  }
0x6e: {  	_ =	shalt  }
0x6f: {  	_ =	shalt  }
0x70: {  	_ =	shalt  }
0x71: {  	_ =	shalt  }
0x72: {  	_ =	shalt  }
0x73: {  	_ =	shalt  }
0x74: {  	_ =	shalt  }
0x75: {  	_ =	shalt  }
0x76: {  	_ =	shalt  }
0x77: {  	_ =	shalt  }
0x78: {  	_ =	shalt  }
0x79: {  	_ =	shalt  }
0x7a: {  	_ =	shalt  }
0x7b: {  	_ =	shalt  }
0x7c: {  	_ =	shalt  }
0x7d: {  	_ =	shalt  }
0x7e: {  	_ =	shalt  }
0x7f: {  	_ =	shalt  }
0x80: {  	_ =	shalt  }
0x81: {  	_ =	shalt  }
0x82: {  	_ =	shalt  }
0x83: {  	_ =	shalt  }
0x84: {  	_ =	shalt  }
0x85: {  	_ =	shalt  }
0x86: {  	_ =	shalt  }
0x87: {  	_ =	shalt  }
.Lfunc_end0:
.L_simem_size_0:
called_computation_lowered:
.L_overlay_start_0:
0x88: {  	s2 =	sld [smem:$0x3FD9]  }
0x89: {  	s3 =	sld [smem:$0x3FFE];
	_ =	sdelay $0x1  }
0x8a: {  	s1 =	srdreg.scid  }
0x8b: {  	s0 =	sand.u32 $0x1, s1  }
0x8c: {  	s17 =	sshll.u32 s0, $0xA;
	s2 =	sadd.s32 s3, s2  }
0x8d: {  	s2 =	sadd.s32 s2, s17  }
0x8e: {  	[smem:$0x3FC6] =	sst s2  }
0x8f: {  	_ = 	snop  }
0x90: {  	s2 =	sld [smem:$0x3FC8];
	(tm) =	ssettm $0x1  }
0x91: {  	s18 =	sld [smem:$0x3FFB];
	_ =	sdelay $0x3  }
0x92: {  	_ =	strace s18  }
0x93: {  	s3 =	sld [smem:$0x3FFC];
	_ =	sdelay $0x3  }
0x94: {  	_ =	strace s3  }
0x95: {  	s3 =	sld [smem:$0x3FFD];
	_ =	sdelay $0x3  }
0x96: {  	_ =	strace s3  }
0x97: {  	_ =	strace $0x8FFFFFFF  }
0x98: {  	s19 =	sld [smem:$0x3FDB];
	_ =	sdelay $0x1  }
0x99: {  	s4 =	simm.s32 $_scs_section_size  }
0x9a: {  	s5 =	simm.s32 $_size__tile_overlayer_lowered;
	s6 =	simm.s32 $_tile_overlayer_lowered  }
0x9b: {  	s22 =	simm.s32 $0x1BFF;
	s21 =	sshll.u32 s6, $0x1;
	s3 =	sadd.s32 s4, s19  }
0x9c: {  	s7 =	simm.s32 $0x0;
	s20 =	sshll.u32 s5, $0x1;
	s5 =	sadd.s32 s21, s3  }
0x9d: {  	[timem:s7], [sflag:s22] =	dma.local [hbm:s5], s20  }
0x9e: {  	_ =	swait.ge [sflag:s22], s20  }
0x9f: {  	s4 =	ssub.s32 $0x0, s20;
	[sflag:s22] =	ssyncset.done $0x0  }
0xa0: {  	[sflag:s22] =	ssyncadd.s32 s4;
	_ =	sdelay $0x1  }
0xa1: {  	s23 =	simm.s32 $0x1B8B  }
0xa2: {  	_ =	swait.ge [sflag:s23], $0x1  }
0xa3: {  	[sflag:s23] =	ssyncset.done $0x0  }
0xa4: {  	s25 =	simm.s32 $0x1B8E;
	s24 =	sld [smem:$0x3FFE];
	[sflag:s23] =	ssyncadd.s32 $0xFFFFFFFF  }
0xa5: {  	s26 =	simm.s32 $execute0_lowered;
	[smem:$0x3FD2] =	sst s25  }
0xa6: {  	s5 =	sshll.u32 s26, $0x1;
	_ =	strace $0x80000046;
	[dreg:$0x1] =	wrdreg $0xFFFFFFFF  }
0xa7: {  	s28 =	simm.s32 $_size_execute0_lowered;
	s3 =	sadd.s32 s3, s5;
	[dreg:$0x0] =	wrdreg $0x0  }
0xa8: {  	s5 =	sshll.u32 s28, $0x1;
	[dreg:$0x2] =	wrdreg s3  }
0xa9: {  	[dreg:$0x3] =	wrdreg s5  }
0xaa: {  	[dreg:$0x4] =	wrdreg $0xC0  }
0xab: {  	_ =	task [dreg:s7], $0x5FFFF  }
0xac: {  	[dreg:$0x1] =	wrdreg $0xFFFFFFFF  }
0xad: {  	[dreg:$0x0] =	wrdreg $0x60  }
0xae: {  	[dreg:$0x2] =	wrdreg s24  }
0xaf: {  	[dreg:$0x3] =	wrdreg s2  }
0xb0: {  	[dreg:$0x4] =	wrdreg $0x9  }
0xb1: {  	_ =	task.clear_ibuf [dreg:s7], $0x5FFFF;
	_ =	strace $0x90000046  }
0xb2: {  	s29 =	simm.s32 $0x9;
	_ =	strace $0x80000048  }
0xb3: {  	_ =	swait.ge [sflag:s29], $0x1  }
0xb4: {  	[sflag:s29] =	ssyncadd.s32 $0xFFFFFFFF  }
0xb5: {  	_ =	strace $0x90000048  }
0xb6: {  	_ =	sfence  }
0xb7: {  	s30 =	sld [smem:$0x0];
	_ =	sdelay $0x2  }
0xb8: {  	s31 =	sshll.u32 s1, $0xD;
	s1 =	sshrl.u32 s1, $0x2  }
0xb9: {  	s3 =	sand.u32 $0x4000, s31;
	s1 =	sadd.s32 s1, s30  }
0xba: {  	s0 =	sor.u32 s3, s0;
	s1 =	sshll.u32 s1, $0x11  }
0xbb: {  	s0 =	sor.u32 s1, s0  }
0xbc: {  	s0 =	sadd.s32 $0x8F2B, s0  }
0xbd: {  	[sflag:s0] =	ssyncadd.remote.s32 $0x1  }
0xbe: {  	_ =	sfence.sel $0xFFFF  }
0xbf: {  	[dreg:$0x0] =	wrdreg $0xFFFFFFFF;
	(pc) =	sbr.abs _section_cstart, $3  }
0xc0: {  	[dreg:$0x1] =	wrdreg $0xFFFFFFFF  }
0xc1: {  	_ =	task.clear_ibuf [dreg:s7], $0x2FFFF;
	_ =	strace $0x9FFFFFFF  }
0xc2: {  	(tm) =	ssettm $0x7FFFFFFF  }
0xc3: {  	_ =	shalt  }
tec
execute0_lowered:
.L_overlay_start_1:
0x0: {  	(tag) =	ssettag $0x1  }
0x1: {  	s4 =	rddreg [dreg:$0x0]  }
0x2: {  	s5 =	rddreg [dreg:$0x1]  }
0x3: {  	s0 =	rddreg [dreg:$0x2];
	s2 =	simm.s32 $0x0;
	s3 =	srdreg.scid  }
0x4: {  	s1 =	stileid.u32;
	s15 =	simm.s32 $0x2;
	s16 =	simm.s32 $0x200  }
0x5: {  	s17 =	simm.s32 $0x40;
	s6 =	sand.u32 $0x1, s3;
	s26 =	sshll.u32 s1, $0x1  }
0x6: {  	s18 =	simm.s32 $0x80;
	s19 =	simm.s32 $0x100;
	s7 =	sor.u32 s6, s26  }
0x7: {  	s20 =	simm.s32 $0x1;
	s21 =	simm.s32 $0x180;
	s9 =	sshll.u32 s7, $0x6  }
0x8: {  	[smem:$0x7FF] =	sst s2;
	s3 =	sadd.s32 $0x400, s4;
	v0 =	vmov s9;
	s30 =	sor.u32 $0x10, s9  }
0x9: {  	s6 =	ssub.s32 $0x2, s6;
	s31 =	sor.u32 $0x20, s9;
	s9 =	sor.u32 $0x30, s9;
	v0 =	vmul.u32 $0x7D00, v0;
	v1 =	vmov s30  }
0xa: {  	_ =	strace $0x80000047;
	s8 =	sshll.u32 s7, $0x4;
	s28 =	sshrl.u32 s6, $0x1;
	v2 =	vmov s31;
	v3 =	vmov s9;
	v1 =	vmul.u32 $0x7D00, v1  }
0xb: {  	v4 =	vlaneseq.u32;
	s29 =	sshll.u32 s7, $0x3;
	s7 =	sshll.u32 s7, $0x10;
	s8 =	sadd.s32 s8, s4;
	v2 =	vmul.u32 $0x7D00, v2;
	v3 =	vmul.u32 $0x7D00, v3  }
0xc: {  	v4 =	vmul.u32 $0x7D00, v4;
	s10 =	ssub.s32 s6, s28;
	s4 =	sadd.s32 s5, s29;
	s5 =	sadd.s32 s3, s7;
	v0 =	vbroadcast v0, $0x0;
	v1 =	vbroadcast v1, $0x0  }
0xd: {  	s6 =	sadd.s32 $0x7D0400, s8;
	s7 =	smax.u32 s10, $0x1;
	s8 =	sadd.s32 $0x2000, s5;
	v2 =	vbroadcast v2, $0x0;
	v3 =	vbroadcast v3, $0x0  }
0xe: {  	s9 =	sadd.s32 $0x4000, s5;
	s10 =	sadd.s32 $0x6000, s5;
	s11 =	sadd.s32 $0x8000, s5;
	v0 =	vadd.s32 v4, v0;
	v1 =	vadd.s32 v4, v1  }
0xf: {  	s12 =	sadd.s32 $0xA000, s5;
	s13 =	sadd.s32 $0xC000, s5;
	s14 =	sadd.s32 $0xE000, s5;
	v2 =	vadd.s32 v4, v2;
	v3 =	vadd.s32 v4, v3;
	v4 =	vimm.f32 $0.0e+00  }
.LBB2_1:
0x10: {  	[tilespmem:s2], [sflag:$0x2] =	stream.linear.gather [hbm4b:s4+s2], $0x40, $0x38;
	[tilespmem:$0x10200] =	vst v63  }
0x11: {  	_ =	swait.ge [sflag:s15], $0x40  }
0x12: {  	[sflag:s15] =	ssyncset.done $0x0  }
0x13: {  	[sflag:s15] =	ssyncadd.s32 $0xFFFFFFC0  }
0x14: {  	v5 =	vld [tilespmem:$0x0]  }
0x15: {  	v6 =	vld [tilespmem:$0x10]  }
0x16: {  	v7 =	vld [tilespmem:$0x20]  }
0x17: {  	v8 =	vld [tilespmem:$0x30];
	_ =	sdelay $0x1  }
0x18: {  	v5 =	vadd.s32 v5, v0  }
0x19: {  	[tilespmem:$0x80] =	vst v5;
	v5 =	vadd.s32 v6, v1  }
0x1a: {  	[tilespmem:$0x90] =	vst v5;
	v5 =	vadd.s32 v7, v2  }
0x1b: {  	[tilespmem:$0xA0] =	vst v5;
	v5 =	vadd.s32 v8, v3  }
0x1c: {  	[tilespmem:$0xB0] =	vst v5  }
0x1d: {  	[tilespmem:s16], [sflag:$0x2] =	stream.linear.gather [hbm4b:s5+s2], $0x10000, $0x38;
	[tilespmem:$0x10200] =	vst v63  }
0x1e: {  	_ =	swait.ge [sflag:s15], $0x10000  }
0x1f: {  	[sflag:s15] =	ssyncset.done $0x0  }
0x20: {  	[sflag:s15] =	ssyncadd.s32 $0xFFFF0000  }
0x21: {  	v5 =	vld [tilespmem:$0x200];
	[tilespmem:s16], [sflag:$0x2] =	stream.linear.gather [hbm4b:s8+s2], $0x10000, $0x38  }
0x22: {  	_ =	swait.ge [sflag:s15], $0x10000  }
0x23: {  	[sflag:s15] =	ssyncset.done $0x0  }
0x24: {  	[sflag:s15] =	ssyncadd.s32 $0xFFFF0000  }
0x25: {  	v6 =	vld [tilespmem:$0x200];
	[tilespmem:s16], [sflag:$0x2] =	stream.linear.gather [hbm4b:s9+s2], $0x10000, $0x38  }
0x26: {  	_ =	swait.ge [sflag:s15], $0x10000  }
0x27: {  	[sflag:s15] =	ssyncset.done $0x0  }
0x28: {  	[sflag:s15] =	ssyncadd.s32 $0xFFFF0000  }
0x29: {  	v7 =	vld [tilespmem:$0x200];
	[tilespmem:s16], [sflag:$0x2] =	stream.linear.gather [hbm4b:s10+s2], $0x10000, $0x38  }
0x2a: {  	_ =	swait.ge [sflag:s15], $0x10000  }
0x2b: {  	[sflag:s15] =	ssyncset.done $0x0  }
0x2c: {  	[sflag:s15] =	ssyncadd.s32 $0xFFFF0000  }
0x2d: {  	v60 =	vld [tilespmem:$0x200];
	[tilespmem:s16], [sflag:$0x2] =	stream.linear.gather [hbm4b:s11+s2], $0x10000, $0x38  }
0x2e: {  	_ =	swait.ge [sflag:s15], $0x10000  }
0x2f: {  	[sflag:s15] =	ssyncset.done $0x0  }
0x30: {  	[sflag:s15] =	ssyncadd.s32 $0xFFFF0000  }
0x31: {  	v9 =	vld [tilespmem:$0x200];
	[tilespmem:s16], [sflag:$0x2] =	stream.linear.gather [hbm4b:s12+s2], $0x10000, $0x38  }
0x32: {  	_ =	swait.ge [sflag:s15], $0x10000  }
0x33: {  	[sflag:s15] =	ssyncset.done $0x0  }
0x34: {  	[sflag:s15] =	ssyncadd.s32 $0xFFFF0000  }
0x35: {  	v10 =	vld [tilespmem:$0x200];
	[tilespmem:s16], [sflag:$0x2] =	stream.linear.gather [hbm4b:s13+s2], $0x10000, $0x38  }
0x36: {  	_ =	swait.ge [sflag:s15], $0x10000  }
0x37: {  	[sflag:s15] =	ssyncset.done $0x0  }
0x38: {  	[sflag:s15] =	ssyncadd.s32 $0xFFFF0000  }
0x39: {  	v11 =	vld [tilespmem:$0x200];
	[tilespmem:s16], [sflag:$0x2] =	stream.linear.gather [hbm4b:s14+s2], $0x10000, $0x38  }
0x3a: {  	_ =	swait.ge [sflag:s15], $0x10000  }
0x3b: {  	[sflag:s15] =	ssyncset.done $0x0  }
0x3c: {  	[sflag:s15] =	ssyncadd.s32 $0xFFFF0000  }
0x3d: {  	v12 =	vld [tilespmem:$0x200];
	[tilespmem:s19], [sflag:$0x1] =	stream.indirect.gather [hbm4b:s3+s17], $0x1, s18, s17, $0xb8  }
0x3e: {  	v5 =	vadd.f32 $0.0e+00, v5;
	_ =	swait.ge [sflag:s20], $0x40  }
0x3f: {  	[sflag:s20] =	ssyncset.done $0x0  }
0x40: {  	v5 =	vadd.f32 v6, v5;
	[sflag:s20] =	ssyncadd.s32 $0xFFFFFFC0  }
0x41: {  	v6 =	vld [tilespmem:$0x0]  }
0x42: {  	v5 =	vadd.f32 v7, v5;
	v7 =	vld [tilespmem:$0x100]  }
0x43: {  	v13 =	vld [tilespmem:$0x10]  }
0x44: {  	v5 =	vadd.f32 v60, v5;
	v61 =	vld [tilespmem:$0x110]  }
0x45: {  	v14 =	vld [tilespmem:$0x20]  }
0x46: {  	v5 =	vadd.f32 v9, v5;
	v62 =	vld [tilespmem:$0x120]  }
0x47: {  	v15 =	vld [tilespmem:$0x30];
	v7 =	vadd.f32 $0.0e+00, v7  }
0x48: {  	v5 =	vadd.f32 v10, v5;
	vm0 =	veq.s32 v6, $0x0;
	vm1 =	veq.s32 v13, $0x0;
	v6 =	vld [tilespmem:$0x130]  }
0x49: {  	v8 =	vsel vm1, $0x0, v61;
	v7 =	vsel vm0, $0x0, v7  }
0x4a: {  	v5 =	vadd.f32 v11, v5;
	vm13 =	veq.s32 v14, $0x0;
	v7 =	vadd.f32 v8, v7  }
0x4b: {  	v63 =	vsel vm13, $0x0, v62  }
0x4c: {  	v5 =	vadd.f32 v12, v5;
	vm14 =	veq.s32 v15, $0x0;
	v7 =	vadd.f32 v63, v7  }
0x4d: {  	v6 =	vsel vm14, $0x0, v6  }
0x4e: {  	vm15 =	vgt.f32 v5, $1.000000020e+30;
	v6 =	vadd.f32 v6, v7  }
0x4f: {  	v5 =	vsel vm15, $0x3F800000, v4  }
0x50: {  	v5 =	vadd.f32 v6, v5  }
0x51: {  	p0 =	sne.s32 s7, $0x1  }
.Ltmp0:
0x52: {  	[tilespmem:$0x180] =	vst v5;
	(pc) =	sbr.rel @p0 .LBB2_1-.Ltmp0, $4  }
0x53: {  	[hbm4b:s6+s2] =	stream.linear.scatter [tilespmem:s21], [sflag:$0x2], $0x80, $0x38;
	[tilespmem:$0x10200] =	vst v63  }
0x54: {  	_ =	swait.ge [sflag:s15], $0x80  }
0x55: {  	[sflag:s15] =	ssyncset.done $0x0  }
0x56: {  	s7 =	sadd.s32 $0xFFFFFFFF, s7;
	[sflag:s15] =	ssyncadd.s32 $0xFFFFFF80  }
0x57: {  	_ =	sfence.sel $0x180000  }
0x58: {  	[bflag:$0x0] =	sbarrier.arrive $0xFFFF  }
0x59: {  	p0 =	sne.s32 s1, $0x0;
	_ =	strace $0x90000047  }
0x5a: {  	s0 =	sadd.s32 @!p0 $0x100000, s0;
	[bflag:$0x2] =	sbarrier.arrive $0xFFFF  }
0x5b: {  	[sflag:s0] =	ssyncadd.tile.s32 @!p0 $0x1;
	_ =	shalt  }
.Lfunc_end2:
_tile_overlayer_lowered:
.L_overlay_start_2:
0x5c: {  	(tag) =	ssettag $0x2  }
0x5d: {  	s0 =	rddreg [dreg:$0x0];
	s2 =	stileid.u32  }
0x5e: {  	s1 =	rddreg [dreg:$0x1];
	p0 =	sne.s32 s2, $0x0  }
0x5f: {  	s3 =	rddreg [dreg:$0x2];
	[bflag:$0x3] =	sbarrier.arrive $0xFFFF;
	s2 =	simm.s32 @!p0 $0x1C02  }
0x60: {  	[timem:s3], [sflag:s2] =	dma.local @!p0 [hbm:s0], s1  }
0x61: {  	s0 =	simm.s32 @!p0 $0x2  }
0x62: {  	_ =	swait.ge @!p0 [sflag:s0], s1  }
0x63: {  	s1 =	ssub.s32 @!p0 $0x0, s1;
	[sflag:s0] =	ssyncset.done @!p0 $0x0  }
0x64: {  	[sflag:s0] =	ssyncadd.s32 @!p0 s1  }
0x65: {  	[bflag:$0x3] =	sbarrier.arrive $0xFFFF  }
0x66: {  	_ =	shalt  }

</sc_bundles>
